<compile_context>
chip_gen: v7x
topology: tpu7x:2x2x1
jax: 0.10.2.dev20260603
libtpu: 0.0.44.dev20260713+nightly
codegen_flags: <defaults>
</compile_context>

<pallas_src>
import jax
import jax.numpy as jnp
import numpy as np
from jax.experimental import pallas as pl

_TILE = 64
_OVERLAP = 16
_RADII = [1, 2, 3, 4, 5, 6]
_RW = [1.0, 0.6, 0.4, 0.3, 0.2, 0.1]
_EDGE_T = 0.15
_M = 20
_TOL = 1e-10
_HW = 224
_N = _TILE * _TILE


def _build_offsets():
    dys, dxs, ws = [], [], []
    for r, rw in zip(_RADII, _RW):
        for dy in range(-r, r + 1):
            for dx in range(-r, r + 1):
                if (dx == 0 and dy == 0) or dx * dx + dy * dy > r * r:
                    continue
                dys.append(dy); dxs.append(dx); ws.append(rw)
    return np.array(dys, np.int64), np.array(dxs, np.int64), np.array(ws, np.float32)


_OFF_DY, _OFF_DX, _OFF_W = _build_offsets()
_K = _OFF_DY.shape[0]


def _build_ell():
    H = W = _TILE
    n = H * W
    yy = np.repeat(np.arange(H), W)
    xx = np.tile(np.arange(W), H)
    dy = yy[:, None] + _OFF_DY[None, :]
    dx = xx[:, None] + _OFF_DX[None, :]
    valid = (dy >= 0) & (dy < H) & (dx >= 0) & (dx < W)
    col = np.clip(dy * W + dx, 0, n - 1).astype(np.int32)
    base_w = np.broadcast_to(_OFF_W[None, :], (n, _OFF_W.shape[0])).astype(np.float32)
    return col, valid.astype(np.float32), base_w


_ELL_COL, _ELL_VALID, _ELL_BASE_W = _build_ell()


def _positions(L):
    stride = _TILE - _OVERLAP
    ps = list(range(0, L - _TILE + 1, stride))
    if ps[-1] != L - _TILE:
        ps.append(L - _TILE)
    return ps


def _wmat_body(f_ref, ng_ref, valid_ref, bw_ref, o_ref):
    f = f_ref[0, 0]
    ng = ng_ref[0]
    o_ref[0] = bw_ref[...] * jnp.exp(-jnp.abs(f[:, None] - ng) / _EDGE_T) * valid_ref[...]


def _wmat_pallas(flatB, neighB):
    B = flatB.shape[0]
    flatB = flatB[:, None, :]
    return pl.pallas_call(
        _wmat_body,
        grid=(B,),
        in_specs=[
            pl.BlockSpec((1, 1, _N), lambda i: (i, 0, 0)),
            pl.BlockSpec((1, _N, _K), lambda i: (i, 0, 0)),
            pl.BlockSpec((_N, _K), lambda i: (0, 0)),
            pl.BlockSpec((_N, _K), lambda i: (0, 0)),
        ],
        out_specs=pl.BlockSpec((1, _N, _K), lambda i: (i, 0, 0)),
        out_shape=jax.ShapeDtypeStruct((B, _N, _K), jnp.float32),
    )(flatB, neighB, jnp.asarray(_ELL_VALID), jnp.asarray(_ELL_BASE_W))


def _tile_fiedler_batched(tiles, v0):
    n = _N
    col = jnp.asarray(_ELL_COL)
    flatB = tiles.reshape(tiles.shape[0], n)
    neighB = jax.vmap(lambda f: f[col])(flatB)
    wmatB = _wmat_pallas(flatB, neighB)
    degB = jax.vmap(lambda w: w.sum(axis=1))(wmatB)
    ones_n = jnp.full((n,), 1.0 / np.sqrt(n), dtype=jnp.float32)

    def tile_lanczos(flat, wmat, deg):
        def matvec(v):
            return deg * v - (wmat * v[col]).sum(axis=1)

        v = v0 - jnp.dot(v0, ones_n) * ones_n
        v = v / jnp.maximum(jnp.linalg.norm(v), _TOL)
        V0 = jnp.zeros((_M, n), dtype=flat.dtype)

        def body(carry, i):
            v_prev, v_cur, beta_prev, V = carry
            V = V.at[i].set(v_cur)
            r = matvec(v_cur)
            a = jnp.dot(r, v_cur)
            r = r - a * v_cur - beta_prev * v_prev
            r = r - jnp.dot(r, ones_n) * ones_n
            r = r - V.T @ (V @ r)
            b = jnp.linalg.norm(r)
            v_next = r / jnp.maximum(b, _TOL)
            return (v_cur, v_next, b, V), (a, b)

        init = (jnp.zeros((n,), flat.dtype), v, jnp.asarray(0.0, flat.dtype), V0)
        (_, _, _, V), (alphas, betas) = jax.lax.scan(jax.checkpoint(body), init, jnp.arange(_M))
        T = jnp.diag(alphas) + jnp.diag(betas[:-1], 1) + jnp.diag(betas[:-1], -1)
        _, evecs = jnp.linalg.eigh(T)
        fied = V.T @ evecs[:, 0]
        s = jnp.where(jnp.sum(fied) >= 0.0, 1.0, -1.0)
        fied = fied * jax.lax.stop_gradient(s)
        return fied.reshape(_TILE, _TILE)

    return jax.vmap(tile_lanczos)(flatB, wmatB, degB)


def kernel(image):
    ys = _positions(_HW)
    xs = _positions(_HW)
    tiles = jnp.stack([image[y:y + _TILE, x:x + _TILE] for y in ys for x in xs])
    rng = np.random.default_rng(0)
    v0 = jnp.asarray(rng.standard_normal(_N).astype(np.float32))
    fied = _tile_fiedler_batched(tiles, v0)
    r = np.arange(_TILE, dtype=np.float32)
    ramp = np.minimum(np.minimum((r + 1.0) / (_OVERLAP + 1.0), (_TILE - r) / (_OVERLAP + 1.0)), 1.0)
    taper = jnp.asarray(np.outer(ramp, ramp).astype(np.float32))
    out = jnp.zeros((_HW, _HW), dtype=image.dtype)
    norm = jnp.zeros((_HW, _HW), dtype=image.dtype)
    k = 0
    for y in ys:
        for x in xs:
            out = out.at[y:y + _TILE, x:x + _TILE].add(fied[k] * taper)
            norm = norm.at[y:y + _TILE, x:x + _TILE].add(taper)
            k += 1
    return out / jnp.maximum(norm, 1e-8)

# --- scband reference (transcript-rebuilt; emitter-appended) ---
"""Pipeline reference for scband-spectral-embedding-58548994179739 (READ-ONLY COPY).

The authoritative reference and input builder live on the scoring server;
editing this copy changes nothing except your own understanding.
"""

import jax, jax.numpy as jnp
import numpy as np

TILE = 64
OVERLAP = 16
RADII = [1, 2, 3, 4, 5, 6]
RW = [1.0, 0.6, 0.4, 0.3, 0.2, 0.1]
EDGE_T = 0.15
LANCZOS_IT = 20
TOL = 1e-10
H_IMG = 224
W_IMG = 224

def _build_offsets():
    dys, dxs, ws = [], [], []
    for r, rw in zip(RADII, RW):
        for dy in range(-r, r + 1):
            for dx in range(-r, r + 1):
                if (dx == 0 and dy == 0) or dx * dx + dy * dy > r * r:
                    continue
                dys.append(dy); dxs.append(dx); ws.append(rw)
    return np.array(dys, np.int64), np.array(dxs, np.int64), np.array(ws, np.float32)

_OFF_DY, _OFF_DX, _OFF_W = _build_offsets()

def _build_ell():
    H = W = TILE
    n = H * W
    yy = np.repeat(np.arange(H), W)
    xx = np.tile(np.arange(W), H)
    dy = yy[:, None] + _OFF_DY[None, :]
    dx = xx[:, None] + _OFF_DX[None, :]
    valid = (dy >= 0) & (dy < H) & (dx >= 0) & (dx < W)
    col = np.clip(dy * W + dx, 0, n - 1).astype(np.int32)
    base_w = np.broadcast_to(_OFF_W[None, :], (n, _OFF_W.shape[0])).astype(np.float32)
    return col, valid.astype(np.float32), base_w

_ELL_COL, _ELL_VALID, _ELL_BASE_W = _build_ell()

def _tile_fiedler(tile, v0):
    n = TILE * TILE
    flat = tile.reshape(-1)
    col = jnp.asarray(_ELL_COL)
    validm = jnp.asarray(_ELL_VALID)
    base_w = jnp.asarray(_ELL_BASE_W)
    neigh = flat[col]
    wmat = base_w * jnp.exp(-jnp.abs(flat[:, None] - neigh) / EDGE_T) * validm
    deg = wmat.sum(axis=1)
    ones_n = jnp.full((n,), 1.0 / np.sqrt(n), dtype=flat.dtype)

    def matvec(v):
        return deg * v - (wmat * v[col]).sum(axis=1)

    v = v0 - jnp.dot(v0, ones_n) * ones_n
    v = v / jnp.maximum(jnp.linalg.norm(v), TOL)
    m = LANCZOS_IT
    V0 = jnp.zeros((m, n), dtype=flat.dtype)

    def body(carry, i):
        v_prev, v_cur, beta_prev, V = carry
        V = V.at[i].set(v_cur)
        r = matvec(v_cur)
        a = jnp.dot(r, v_cur)
        r = r - a * v_cur - beta_prev * v_prev
        r = r - jnp.dot(r, ones_n) * ones_n
        r = r - V.T @ (V @ r)
        b = jnp.linalg.norm(r)
        v_next = r / jnp.maximum(b, TOL)
        return (v_cur, v_next, b, V), (a, b)

    init = (jnp.zeros((n,), flat.dtype), v, jnp.asarray(0.0, flat.dtype), V0)
    (_, _, _, V), (alphas, betas) = jax.lax.scan(jax.checkpoint(body), init, jnp.arange(m))
    T = jnp.diag(alphas) + jnp.diag(betas[:-1], 1) + jnp.diag(betas[:-1], -1)
    _, evecs = jnp.linalg.eigh(T)
    fied = V.T @ evecs[:, 0]
    s = jnp.where(jnp.sum(fied) >= 0.0, 1.0, -1.0)
    fied = fied * jax.lax.stop_gradient(s)
    return fied.reshape(TILE, TILE)

def _positions(L):
    stride = TILE - OVERLAP
    ps = list(range(0, L - TILE + 1, stride))
    if ps[-1] != L - TILE:
        ps.append(L - TILE)
    return ps

def _forward(image):
    ys = _positions(H_IMG)
    xs = _positions(W_IMG)
    tiles = jnp.stack([image[y:y + TILE, x:x + TILE] for y in ys for x in xs])
    rng = np.random.default_rng(0)
    v0 = jnp.asarray(rng.standard_normal(TILE * TILE).astype(np.float32))
    fied = jax.vmap(lambda t: _tile_fiedler(t, v0))(tiles)
    r = np.arange(TILE, dtype=np.float32)
    ramp = np.minimum(np.minimum((r + 1.0) / (OVERLAP + 1.0), (TILE - r) / (OVERLAP + 1.0)), 1.0)
    taper = jnp.asarray(np.outer(ramp, ramp).astype(np.float32))
    out = jnp.zeros((H_IMG, W_IMG), dtype=image.dtype)
    norm = jnp.zeros((H_IMG, W_IMG), dtype=image.dtype)
    k = 0
    for y in ys:
        for x in xs:
            out = out.at[y:y + TILE, x:x + TILE].add(fied[k] * taper)
            norm = norm.at[y:y + TILE, x:x + TILE].add(taper)
            k += 1
    return out / jnp.maximum(norm, 1e-8)

def setup_inputs(seed: int = 0) -> dict:
    key = jax.random.key(seed)
    image = jax.random.uniform(key, (H_IMG, W_IMG), dtype=jnp.float32)
    return {"image": image}

def reference(image):
    return _forward(image)

if __name__ == "__main__":
    import jax
    _d = setup_inputs()
    print(jax.jit(kernel)(*tuple(_d.values())))

</pallas_src>

<mosaic_0001>
module attributes {stable_mosaic.version = 14 : i64} {
  func.func @_wmat_body(%arg0: i32, %arg1: memref<1x1x4096xf32, #tpu.memory_space<vmem>>, %arg2: memref<1x4096x284xf32, #tpu.memory_space<vmem>>, %arg3: memref<4096x284xf32, #tpu.memory_space<vmem>>, %arg4: memref<4096x284xf32, #tpu.memory_space<vmem>>, %arg5: memref<1x4096x284xf32, #tpu.memory_space<vmem>>) attributes {dimension_semantics = [#tpu.dimension_semantics<arbitrary>], iteration_bounds = array<i64: 25>, scalar_prefetch = 0 : i64, scratch_operands = 0 : i64, tpu.core_type = #tpu.core_type<tc>, window_params = [{transform_indices = @transform_0, window_bounds = array<i64: 1, 1, 4096>}, {transform_indices = @transform_1, window_bounds = array<i64: 1, 4096, 284>}, {pipeline_mode = #tpu.pipeline_mode<synchronous>, transform_indices = @transform_2, window_bounds = array<i64: 4096, 284>}, {pipeline_mode = #tpu.pipeline_mode<synchronous>, transform_indices = @transform_3, window_bounds = array<i64: 4096, 284>}, {transform_indices = @transform_4, window_bounds = array<i64: 1, 4096, 284>}]} {
    %get3A = arith.constant 0 : index
    %get3A_0 = arith.constant 0 : index
    %get3A_1 = arith.constant 0 : index
    %get3A_2 = vector.load %arg1[%get3A, %get3A_0, %get3A_1] : memref<1x1x4096xf32, #tpu.memory_space<vmem>>, vector<1x1x4096xf32>
    %get3A_3 = vector.shape_cast %get3A_2 : vector<1x1x4096xf32> to vector<4096xf32>
    %get3A_4 = arith.constant 0 : index
    %get3A_5 = arith.constant 0 : index
    %get3A_6 = arith.constant 0 : index
    %get3A_7 = vector.load %arg2[%get3A_4, %get3A_5, %get3A_6] : memref<1x4096x284xf32, #tpu.memory_space<vmem>>, vector<1x4096x284xf32>
    %get3A_8 = vector.shape_cast %get3A_7 : vector<1x4096x284xf32> to vector<4096x284xf32>
    %get3A_9 = arith.constant 0 : index
    %get3A_10 = arith.constant 0 : index
    %get3A_11 = vector.load %arg4[%get3A_9, %get3A_10] : memref<4096x284xf32, #tpu.memory_space<vmem>>, vector<4096x284xf32>
    %broadcast_in_dim3A = vector.shape_cast %get3A_3 : vector<4096xf32> to vector<4096x1xf32>
    %sub3A = vector.broadcast %broadcast_in_dim3A : vector<4096x1xf32> to vector<4096x284xf32>
    %sub3A_12 = arith.subf %sub3A, %get3A_8 : vector<4096x284xf32>
    %abs3A = math.absf %sub3A_12 : vector<4096x284xf32>
    %neg3A = arith.constant 0.000000e+00 : f32
    %neg3A_13 = vector.broadcast %neg3A : f32 to vector<4096x284xf32>
    %neg3A_14 = arith.subf %neg3A_13, %abs3A : vector<4096x284xf32>
    %div3A = arith.constant 1.500000e-01 : f32
    %div3A_15 = vector.broadcast %div3A : f32 to vector<4096x284xf32>
    %div3A_16 = arith.divf %neg3A_14, %div3A_15 : vector<4096x284xf32>
    %exp3A = math.exp %div3A_16 : vector<4096x284xf32>
    %mul3A = arith.mulf %get3A_11, %exp3A : vector<4096x284xf32>
    %get3A_17 = arith.constant 0 : index
    %get3A_18 = arith.constant 0 : index
    %get3A_19 = vector.load %arg3[%get3A_17, %get3A_18] : memref<4096x284xf32, #tpu.memory_space<vmem>>, vector<4096x284xf32>
    %mul3A_20 = arith.mulf %mul3A, %get3A_19 : vector<4096x284xf32>
    %swap3A = arith.constant 0 : index
    %swap3A_21 = arith.constant 0 : index
    %swap3A_22 = arith.constant 0 : index
    %swap3A_23 = vector.load %arg5[%swap3A, %swap3A_21, %swap3A_22] : memref<1x4096x284xf32, #tpu.memory_space<vmem>>, vector<1x4096x284xf32>
    %swap3A_24 = vector.shape_cast %swap3A_23 : vector<1x4096x284xf32> to vector<4096x284xf32>
    %swap3A_25 = vector.shape_cast %mul3A_20 : vector<4096x284xf32> to vector<1x4096x284xf32>
    tpu.vector_store %arg5[%swap3A, %swap3A_21, %swap3A_22], %swap3A_25 {strides = array<i32>} : memref<1x4096x284xf32, #tpu.memory_space<vmem>>, vector<1x4096x284xf32>,
    return
  }
  func.func @transform_0(%arg0: i32) -> (i32, i32, i32) {
    %c0_i32 = arith.constant 0 : i32
    %c0_i32_0 = arith.constant 0 : i32
    %c0_i32_1 = arith.constant 0 : i32
    return %arg0, %c0_i32, %c0_i32_0 : i32, i32, i32
  }
  func.func @transform_1(%arg0: i32) -> (i32, i32, i32) {
    %c0_i32 = arith.constant 0 : i32
    %c0_i32_0 = arith.constant 0 : i32
    %c0_i32_1 = arith.constant 0 : i32
    return %arg0, %c0_i32, %c0_i32_0 : i32, i32, i32
  }
  func.func @transform_2(%arg0: i32) -> (i32, i32) {
    %c0_i32 = arith.constant 0 : i32
    %c0_i32_0 = arith.constant 0 : i32
    %c0_i32_1 = arith.constant 0 : i32
    return %c0_i32, %c0_i32_0 : i32, i32
  }
  func.func @transform_3(%arg0: i32) -> (i32, i32) {
    %c0_i32 = arith.constant 0 : i32
    %c0_i32_0 = arith.constant 0 : i32
    %c0_i32_1 = arith.constant 0 : i32
    return %c0_i32, %c0_i32_0 : i32, i32
  }
  func.func @transform_4(%arg0: i32) -> (i32, i32, i32) {
    %c0_i32 = arith.constant 0 : i32
    %c0_i32_0 = arith.constant 0 : i32
    %c0_i32_1 = arith.constant 0 : i32
    return %arg0, %c0_i32, %c0_i32_0 : i32, i32, i32
  }
}

</mosaic_0001>

<sc_bundles>
// kernel: sparse-core-data-format-call.1.cloned.1.call-start
scs
called_computation.1_lowered:
.L_overlay_start_0:
0x0: {  	s1 =	sld [smem:$0x3FD9]  }
0x1: {  	s2 =	sld [smem:$0x3FFE];
	_ =	sdelay $0x1  }
0x2: {  	s3 =	srdreg.scid  }
0x3: {  	s0 =	sand.u32 $0x1, s3  }
0x4: {  	s17 =	sshll.u32 s0, $0xA;
	s1 =	sadd.s32 s2, s1  }
0x5: {  	s1 =	sadd.s32 s1, s17  }
0x6: {  	[smem:$0x3FC7] =	sst s1  }
0x7: {  	_ = 	snop  }
0x8: {  	(tm) =	ssettm $0x1  }
0x9: {  	s18 =	sld [smem:$0x3FFB];
	_ =	sdelay $0x3  }
0xa: {  	_ =	strace s18  }
0xb: {  	s1 =	sld [smem:$0x3FFC];
	_ =	sdelay $0x3  }
0xc: {  	_ =	strace s1  }
0xd: {  	s1 =	sld [smem:$0x3FFD];
	_ =	sdelay $0x3  }
0xe: {  	_ =	strace s1  }
0xf: {  	_ =	strace $0x8FFFFFFF  }
0x10: {  	s19 =	sld [smem:$0x3FDB];
	_ =	sdelay $0x1  }
0x11: {  	s20 =	simm.s32 $_scs_section_size  }
0x12: {  	s4 =	simm.s32 $_size__tile_overlayer_lowered;
	s5 =	simm.s32 $_tile_overlayer_lowered  }
0x13: {  	s23 =	simm.s32 $0x1BFF;
	s22 =	sshll.u32 s5, $0x1;
	s1 =	sadd.s32 s20, s19  }
0x14: {  	s6 =	simm.s32 $0x0;
	s21 =	sshll.u32 s4, $0x1;
	s4 =	sadd.s32 s22, s1  }
0x15: {  	[timem:s6], [sflag:s23] =	dma.local [hbm:s4], s21  }
0x16: {  	_ =	swait.ge [sflag:s23], s21  }
0x17: {  	s2 =	ssub.s32 $0x0, s21;
	[sflag:s23] =	ssyncset.done $0x0  }
0x18: {  	[sflag:s23] =	ssyncadd.s32 s2;
	_ =	sdelay $0x1  }
0x19: {  	s24 =	simm.s32 $0x1B8B  }
0x1a: {  	_ =	swait.ge [sflag:s24], $0x1  }
0x1b: {  	[sflag:s24] =	ssyncset.done $0x0  }
0x1c: {  	s26 =	simm.s32 $0x1B8E;
	s25 =	sld [smem:$0x3FFE];
	[sflag:s24] =	ssyncadd.s32 $0xFFFFFFFF  }
0x1d: {  	s27 =	simm.s32 $execute0_lowered;
	[smem:$0x3FD2] =	sst s26  }
0x1e: {  	s4 =	sshll.u32 s27, $0x1;
	_ =	strace $0x80000046;
	[dreg:$0x1] =	wrdreg $0xFFFFFFFF  }
0x1f: {  	s28 =	simm.s32 $_size_execute0_lowered;
	s1 =	sadd.s32 s1, s4;
	[dreg:$0x0] =	wrdreg $0x0  }
0x20: {  	s4 =	sshll.u32 s28, $0x1;
	[dreg:$0x2] =	wrdreg s1  }
0x21: {  	[dreg:$0x3] =	wrdreg s4  }
0x22: {  	[dreg:$0x4] =	wrdreg $0xC0  }
0x23: {  	_ =	task [dreg:s6], $0x5FFFF  }
0x24: {  	[dreg:$0x1] =	wrdreg $0xFFFFFFFF  }
0x25: {  	[dreg:$0x0] =	wrdreg $0x60  }
0x26: {  	[dreg:$0x2] =	wrdreg s25  }
0x27: {  	[dreg:$0x3] =	wrdreg $0x9  }
0x28: {  	_ =	task.clear_ibuf [dreg:s6], $0x4FFFF;
	_ =	strace $0x90000046  }
0x29: {  	s29 =	simm.s32 $0x9;
	_ =	strace $0x80000048  }
0x2a: {  	_ =	swait.ge [sflag:s29], $0x1  }
0x2b: {  	[sflag:s29] =	ssyncadd.s32 $0xFFFFFFFF  }
0x2c: {  	_ =	strace $0x90000048  }
0x2d: {  	_ =	sfence  }
0x2e: {  	s30 =	sld [smem:$0x0];
	_ =	sdelay $0x2  }
0x2f: {  	s31 =	sshll.u32 s3, $0xD;
	s3 =	sshrl.u32 s3, $0x2  }
0x30: {  	s2 =	sand.u32 $0x4000, s31;
	s1 =	sadd.s32 s3, s30  }
0x31: {  	s0 =	sor.u32 s2, s0;
	s1 =	sshll.u32 s1, $0x11  }
0x32: {  	s0 =	sor.u32 s1, s0  }
0x33: {  	s0 =	sadd.s32 $0x8F2B, s0  }
0x34: {  	[sflag:s0] =	ssyncadd.remote.s32 $0x1  }
0x35: {  	_ =	sfence.sel $0xFFFF  }
0x36: {  	[dreg:$0x0] =	wrdreg $0xFFFFFFFF;
	(pc) =	sbr.abs _section_cstart, $3  }
0x37: {  	[dreg:$0x1] =	wrdreg $0xFFFFFFFF  }
0x38: {  	_ =	task.clear_ibuf [dreg:s6], $0x2FFFF;
	_ =	strace $0x9FFFFFFF  }
0x39: {  	(tm) =	ssettm $0x7FFFFFFF  }
tec
execute0_lowered:
.L_overlay_start_1:
0x0: {  	(tag) =	ssettag $0x1  }
0x1: {  	s0 =	srdreg.scid  }
0x2: {  	s1 =	sshll.u32 s0, $0x4  }
0x3: {  	s4 =	rddreg [dreg:$0x0];
	s0 =	stileid.u32;
	s1 =	sand.u32 $0x10, s1  }
0x4: {  	s7 =	simm.s32 $0x1;
	s8 =	simm.s32 $0x2;
	s1 =	sor.u32 s0, s1  }
0x5: {  	s11 =	simm.s32 $0x0;
	s10 =	simm.s32 $0x0;
	s2 =	sshll.u32 s1, $0x7  }
0x6: {  	s3 =	sadd.s32 $0xC000, s4;
	s4 =	sadd.s32 $0x11CC000, s4;
	s6 =	ssub.s32 $0x11C000, s2  }
.Ltmp0:
0x7: {  	s1 =	rddreg [dreg:$0x1];
	s5 =	sand.u32 $0xF80, s6;
	(pc) =	sbr.rel .LBB1_1-.Ltmp0, $4  }
0x8: {  	_ =	strace $0x80000047;
	s9 =	smov.u32 s2;
	p0 =	sne.s32 s5, $0x0  }
0x9: {  	s6 =	sshrl.u32 s6, $0xC;
	s5 =	simm.s32 $0x1;
	s7 =	simm.s32 @!p0 $0x0  }
0xa: {  	[sflag:s5] =	ssyncpa.u1 $0x0;
	p0 =	por $0x0, $0x0;
	s6 =	sadd.s32 s7, s6  }
0xb: {  	[sflag:s8] =	ssyncpa.u1 $0x0;
	s8 =	simm.s32 $0x8E0000;
	s7 =	sadd.s32 $0x1, s6  }
.LBB1_4:
0xc: {  	s14 =	sshll.u32 s11, $0x3  }
0xd: {  	s30 =	sand.u32 $0x7F, s11;
	s15 =	sand.u32 $0xFFFFFC00, s14  }
0xe: {  	s11 =	sor.u32 s30, s15  }
0xf: {  	s15 =	smulhi.u32 $0xE6C2B449, s11  }
0x10: {  	s14 =	smulhi.u32 $0xE6C2B449, s14  }
0x11: {  	s15 =	sshrl.u32 s15, $0x14  }
0x12: {  	s14 =	sshrl.u32 s14, $0x14;
	s15 =	smul.u32 $0x11C000, s15  }
0x13: {  	s14 =	sand.u32 $0x1F, s14  }
0x14: {  	s14 =	smul.u32 $0x23800, s14;
	s11 =	ssub.s32 s11, s15  }
0x15: {  	s15 =	sand.u32 $0x7, s11  }
0x16: {  	s14 =	sadd.s32 s4, s14;
	s11 =	sshrl.u32 s11, $0x3;
	s15 =	sshll.u32 s15, $0x12  }
0x17: {  	[tilespmem:s13+$0x0 ss:$0x81] =	vst.msk $0xffff, v0;
	s11 =	sadd.s32 s11, s14;
	s31 =	sor.u32 $0x400, s15  }
0x18: {  	[hbm4b:s11+s31] =	stream.strided.scatter [tilespmem:s12], [sflag:$0x2], $0x1000, s8, s31, $0x20;
	[tilespmem:$0x4040] =	vst v63  }
.LBB1_5:
0x19: {  	s13 =	sadd.s32 $0x1000, s9  }
0x1a: {  	p2 =	sgt.s32 s13, $0x11BFFF  }
0x1b: {  	s13 =	smov.u32 @p2 s2;
	p2 =	sne.s32 s10, s7  }
.Ltmp1:
0x1c: {  	p1 =	slt.u32 s10, $0x2;
	(pc) =	sbr.rel @!p2 .LBB1_6-.Ltmp1, $4  }
0x1d: {  	s12 =	simm.s32 @!p1 $0x2  }
0x1e: {  	s14 =	sadd.s32 $0x1, s10;
	_ =	swait.ge @!p1 [sflag:s12], $0x1000  }
0x1f: {  	s11 =	smov.u32 s9;
	p0 =	por !p0, !p0;
	[sflag:s12] =	ssyncset.done @!p1 $0x0  }
0x20: {  	s10 =	smov.u32 s14;
	s9 =	smov.u32 s13;
	[sflag:s12] =	ssyncadd.s32 @!p1 $0xFFFFF000  }
.LBB1_1:
0x21: {  	p1 =	sge.u32 s10, s6  }
0x22: {  	s12 =	sand.u32 @!p1 $0x1FFFFFF, s9  }
0x23: {  	s13 =	smulhi.u32 @!p1 $0x1CD8569, s12;
	_ =	sdelay $0x1  }
0x24: {  	s13 =	sshrl.u32 @!p1 s13, $0xD  }
0x25: {  	s13 =	smul.u32 @!p1 $0x11C000, s13;
	_ =	sdelay $0x1  }
0x26: {  	s31 =	sadd.s32 $0xFFFFFFFF, s10;
	s14 =	sxor.u32 @!p1 $0xFFFFFFFF, s10;
	s12 =	ssub.s32 @!p1 s12, s13  }
0x27: {  	s15 =	simm.s32 @!p1 $0x80;
	s14 =	sshll.u32 @!p1 s14, $0xC;
	s12 =	sshll.u32 @!p1 s12, $0x4  }
0x28: {  	s13 =	sand.u32 @!p1 $0x1000, s14;
	s14 =	simm.s32 @!p1 $0x20;
	s12 =	sadd.s32 @!p1 s3, s12  }
0x29: {  	[tilespmem:s13], [sflag:$0x1] =	stream.strided.gather @!p1 [hbm4b:s12+s14], $0x1000, s15, s14, $0x38;
	[tilespmem:$0x4040] =	vst v63  }
0x2a: {  	p1 =	sge.u32 s31, s6  }
.Ltmp2:
0x2b: {  	_ = 	snop;
	(pc) =	sbr.rel @p1 .LBB1_5-.Ltmp2, $1  }
0x2c: {  	_ =	sdelay $0x3  }
0x2d: {  	s12 =	simm.s32 $0x1  }
0x2e: {  	_ =	swait.ge [sflag:s5], $0x1000;
	s12 =	simm.s32 @!p0 $0x0  }
0x2f: {  	[sflag:s5] =	ssyncset.done $0x0;
	s13 =	sshll.u32 s12, $0xC  }
0x30: {  	[sflag:s5] =	ssyncadd.s32 $0xFFFFF000;
	s16 =	sor.u32 $0x10, s13  }
0x31: {  	s12 =	smul.u32 $0x4080, s12;
	v1 =	vld [tilespmem:s16+$0x0]  }
0x32: {  	s30 =	sand.u32 $0x1, s10;
	v0 =	vld [tilespmem:s16+$0xFFFFFFF0]  }
0x33: {  	s13 =	smul.u32 $0x4080, s30;
	s12 =	sshrl.u32 s12, $0x2  }
0x34: {  	s14 =	sor.u32 $0x2000, s12  }
0x35: {  	s31 =	sshrl.u32 s13, $0x2;
	s13 =	sadd.s32 $0x0, s14  }
0x36: {  	s15 =	simm.s32 $0x4;
	s16 =	sadd.s32 $0x20, s16;
	s12 =	sor.u32 $0x2000, s31;
	[tilespmem:s13+$0x810 ss:$0x81] =	vst.msk $0xffff, v1  }
.LBB1_3:
0x37: {  	v1 =	vld [tilespmem:s16+$0x0];
	p1 =	sne.s32 s15, $0x1FC;
	[tilespmem:s13+$0x0 ss:$0x81] =	vst.msk $0xffff, v0;
	s13 =	smov.u32 s15;
	s15 =	sadd.s32 $0x4, s15  }
.Ltmp3:
0x38: {  	v0 =	vld [tilespmem:s16+$0xFFFFFFF0];
	(pc) =	sbr.rel @p1 .LBB1_3-.Ltmp3, $4  }
0x39: {  	_ = 	snop  }
0x3a: {  	s13 =	sshra.s32 s13, $0x2  }
0x3b: {  	s13 =	sadd.s32 s13, s14  }
0x3c: {  	s16 =	sadd.s32 $0x20, s16;
	[tilespmem:s13+$0x810 ss:$0x81] =	vst.msk $0xffff, v1  }
.Ltmp4:
0x3d: {  	_ = 	snop;
	(pc) =	sbr.rel .LBB1_4-.Ltmp4, $1  }
0x3e: {  	_ =	sdelay $0x3  }
.LBB1_6:
0x3f: {  	_ =	sfence.sel $0x180000  }
0x40: {  	s2 =	simm.s32 $0x1;
	[bflag:$0x0] =	sbarrier.arrive $0xFFFF  }
0x41: {  	s31 =	simm.s32 $0x2;
	[sflag:s2] =	ssyncpa.u1 $0x1  }
0x42: {  	[sflag:s31] =	ssyncpa.u1 $0x1  }
0x43: {  	p0 =	sne.s32 s0, $0x0;
	_ =	strace $0x90000047  }
0x44: {  	s0 =	sadd.s32 @!p0 $0x100000, s1;
	[bflag:$0x2] =	sbarrier.arrive $0xFFFF  }
0x45: {  	[sflag:s0] =	ssyncadd.tile.s32 @!p0 $0x1;
	_ =	shalt  }
.Lfunc_end1:
_tile_overlayer_lowered:
.L_overlay_start_2:
0x46: {  	(tag) =	ssettag $0x2  }
0x47: {  	s0 =	rddreg [dreg:$0x0];
	s2 =	stileid.u32  }
0x48: {  	s1 =	rddreg [dreg:$0x1];
	p0 =	sne.s32 s2, $0x0  }
0x49: {  	s3 =	rddreg [dreg:$0x2];
	[bflag:$0x3] =	sbarrier.arrive $0xFFFF;
	s2 =	simm.s32 @!p0 $0x1C01  }
0x4a: {  	[timem:s3], [sflag:s2] =	dma.local @!p0 [hbm:s0], s1  }
0x4b: {  	s0 =	simm.s32 @!p0 $0x1  }
0x4c: {  	_ =	swait.ge @!p0 [sflag:s0], s1  }
0x4d: {  	s1 =	ssub.s32 @!p0 $0x0, s1;
	[sflag:s0] =	ssyncset.done @!p0 $0x0  }
0x4e: {  	[sflag:s0] =	ssyncadd.s32 @!p0 s1  }
0x4f: {  	[bflag:$0x3] =	sbarrier.arrive $0xFFFF  }
0x50: {  	_ =	shalt  }

// kernel: sparse-core-data-format-call.cloned.1.call-start
scs
called_computation_lowered:
.L_overlay_start_0:
0x0: {  	s1 =	sld [smem:$0x3FD9]  }
0x1: {  	s2 =	sld [smem:$0x3FFE];
	_ =	sdelay $0x1  }
0x2: {  	s3 =	srdreg.scid  }
0x3: {  	s0 =	sand.u32 $0x1, s3  }
0x4: {  	s17 =	sshll.u32 s0, $0xA;
	s1 =	sadd.s32 s2, s1  }
0x5: {  	s1 =	sadd.s32 s1, s17  }
0x6: {  	[smem:$0x3FC7] =	sst s1  }
0x7: {  	_ = 	snop  }
0x8: {  	(tm) =	ssettm $0x1  }
0x9: {  	s18 =	sld [smem:$0x3FFB];
	_ =	sdelay $0x3  }
0xa: {  	_ =	strace s18  }
0xb: {  	s1 =	sld [smem:$0x3FFC];
	_ =	sdelay $0x3  }
0xc: {  	_ =	strace s1  }
0xd: {  	s1 =	sld [smem:$0x3FFD];
	_ =	sdelay $0x3  }
0xe: {  	_ =	strace s1  }
0xf: {  	_ =	strace $0x8FFFFFFF  }
0x10: {  	s19 =	sld [smem:$0x3FDB];
	_ =	sdelay $0x1  }
0x11: {  	s20 =	simm.s32 $_scs_section_size  }
0x12: {  	s4 =	simm.s32 $_size__tile_overlayer_lowered;
	s5 =	simm.s32 $_tile_overlayer_lowered  }
0x13: {  	s23 =	simm.s32 $0x1BFF;
	s22 =	sshll.u32 s5, $0x1;
	s1 =	sadd.s32 s20, s19  }
0x14: {  	s6 =	simm.s32 $0x0;
	s21 =	sshll.u32 s4, $0x1;
	s4 =	sadd.s32 s22, s1  }
0x15: {  	[timem:s6], [sflag:s23] =	dma.local [hbm:s4], s21  }
0x16: {  	_ =	swait.ge [sflag:s23], s21  }
0x17: {  	s2 =	ssub.s32 $0x0, s21;
	[sflag:s23] =	ssyncset.done $0x0  }
0x18: {  	[sflag:s23] =	ssyncadd.s32 s2;
	_ =	sdelay $0x1  }
0x19: {  	s24 =	simm.s32 $0x1B8B  }
0x1a: {  	_ =	swait.ge [sflag:s24], $0x1  }
0x1b: {  	[sflag:s24] =	ssyncset.done $0x0  }
0x1c: {  	s26 =	simm.s32 $0x1B8E;
	s25 =	sld [smem:$0x3FFE];
	[sflag:s24] =	ssyncadd.s32 $0xFFFFFFFF  }
0x1d: {  	s27 =	simm.s32 $execute0_lowered;
	[smem:$0x3FD2] =	sst s26  }
0x1e: {  	s4 =	sshll.u32 s27, $0x1;
	_ =	strace $0x80000049;
	[dreg:$0x1] =	wrdreg $0xFFFFFFFF  }
0x1f: {  	s28 =	simm.s32 $_size_execute0_lowered;
	s1 =	sadd.s32 s1, s4;
	[dreg:$0x0] =	wrdreg $0x0  }
0x20: {  	s4 =	sshll.u32 s28, $0x1;
	[dreg:$0x2] =	wrdreg s1  }
0x21: {  	[dreg:$0x3] =	wrdreg s4  }
0x22: {  	[dreg:$0x4] =	wrdreg $0xC0  }
0x23: {  	_ =	task [dreg:s6], $0x5FFFF  }
0x24: {  	[dreg:$0x1] =	wrdreg $0xFFFFFFFF  }
0x25: {  	[dreg:$0x0] =	wrdreg $0x60  }
0x26: {  	[dreg:$0x2] =	wrdreg s25  }
0x27: {  	[dreg:$0x3] =	wrdreg $0x9  }
0x28: {  	_ =	task.clear_ibuf [dreg:s6], $0x4FFFF;
	_ =	strace $0x90000049  }
0x29: {  	s29 =	simm.s32 $0x9;
	_ =	strace $0x8000004B  }
0x2a: {  	_ =	swait.ge [sflag:s29], $0x1  }
0x2b: {  	[sflag:s29] =	ssyncadd.s32 $0xFFFFFFFF  }
0x2c: {  	_ =	strace $0x9000004B  }
0x2d: {  	_ =	sfence  }
0x2e: {  	s30 =	sld [smem:$0x0];
	_ =	sdelay $0x2  }
0x2f: {  	s31 =	sshll.u32 s3, $0xD;
	s3 =	sshrl.u32 s3, $0x2  }
0x30: {  	s2 =	sand.u32 $0x4000, s31;
	s1 =	sadd.s32 s3, s30  }
0x31: {  	s0 =	sor.u32 s2, s0;
	s1 =	sshll.u32 s1, $0x11  }
0x32: {  	s0 =	sor.u32 s1, s0  }
0x33: {  	s0 =	sadd.s32 $0x8F2B, s0  }
0x34: {  	[sflag:s0] =	ssyncadd.remote.s32 $0x1  }
0x35: {  	_ =	sfence.sel $0xFFFF  }
0x36: {  	[dreg:$0x0] =	wrdreg $0xFFFFFFFF;
	(pc) =	sbr.abs _section_cstart, $3  }
0x37: {  	[dreg:$0x1] =	wrdreg $0xFFFFFFFF  }
0x38: {  	_ =	task.clear_ibuf [dreg:s6], $0x2FFFF;
	_ =	strace $0x9FFFFFFF  }
0x39: {  	(tm) =	ssettm $0x7FFFFFFF  }
tec
execute0_lowered:
.L_overlay_start_1:
0x0: {  	(tag) =	ssettag $0x1  }
0x1: {  	s0 =	srdreg.scid  }
0x2: {  	s1 =	sshll.u32 s0, $0x4  }
0x3: {  	s4 =	rddreg [dreg:$0x0];
	s0 =	stileid.u32;
	s1 =	sand.u32 $0x10, s1  }
0x4: {  	s7 =	simm.s32 $0x1;
	s8 =	simm.s32 $0x2;
	s2 =	sor.u32 s0, s1  }
0x5: {  	s11 =	simm.s32 $0x0;
	s3 =	sadd.s32 $0x163C800, s4;
	s2 =	sshll.u32 s2, $0x7  }
0x6: {  	s10 =	simm.s32 $0x0;
	s4 =	sadd.s32 $0x96B400, s4;
	s6 =	ssub.s32 $0x11C000, s2  }
.Ltmp0:
0x7: {  	s1 =	rddreg [dreg:$0x1];
	s5 =	sand.u32 $0xF80, s6;
	(pc) =	sbr.rel .LBB1_1-.Ltmp0, $4  }
0x8: {  	_ =	strace $0x8000004A;
	s9 =	smov.u32 s2;
	p0 =	sne.s32 s5, $0x0  }
0x9: {  	s6 =	sshrl.u32 s6, $0xC;
	s5 =	simm.s32 $0x1;
	s7 =	simm.s32 @!p0 $0x0  }
0xa: {  	[sflag:s5] =	ssyncpa.u1 $0x0;
	p0 =	por $0x0, $0x0;
	s6 =	sadd.s32 s7, s6  }
0xb: {  	[sflag:s8] =	ssyncpa.u1 $0x0;
	s8 =	simm.s32 $0x8E0000;
	s7 =	sadd.s32 $0x1, s6  }
.LBB1_4:
0xc: {  	s14 =	sshll.u32 s11, $0x3  }
0xd: {  	s30 =	sand.u32 $0x7F, s11;
	s15 =	sand.u32 $0xFFFFFC00, s14  }
0xe: {  	s11 =	sor.u32 s30, s15  }
0xf: {  	s15 =	smulhi.u32 $0xE6C2B449, s11  }
0x10: {  	s14 =	smulhi.u32 $0xE6C2B449, s14  }
0x11: {  	s15 =	sshrl.u32 s15, $0x14  }
0x12: {  	s14 =	sshrl.u32 s14, $0x14;
	s15 =	smul.u32 $0x11C000, s15  }
0x13: {  	s14 =	sand.u32 $0x1F, s14  }
0x14: {  	s14 =	smul.u32 $0x23800, s14;
	s11 =	ssub.s32 s11, s15  }
0x15: {  	s15 =	sand.u32 $0x7, s11  }
0x16: {  	s14 =	sadd.s32 s4, s14;
	s11 =	sshrl.u32 s11, $0x3;
	s15 =	sshll.u32 s15, $0x12  }
0x17: {  	[tilespmem:s13+$0x0 ss:$0x81] =	vst.msk $0xffff, v0;
	s11 =	sadd.s32 s11, s14;
	s31 =	sor.u32 $0x400, s15  }
0x18: {  	[hbm4b:s11+s31] =	stream.strided.scatter [tilespmem:s12], [sflag:$0x2], $0x1000, s8, s31, $0x20;
	[tilespmem:$0x4040] =	vst v63  }
.LBB1_5:
0x19: {  	s13 =	sadd.s32 $0x1000, s9  }
0x1a: {  	p2 =	sgt.s32 s13, $0x11BFFF  }
0x1b: {  	s13 =	smov.u32 @p2 s2;
	p2 =	sne.s32 s10, s7  }
.Ltmp1:
0x1c: {  	p1 =	slt.u32 s10, $0x2;
	(pc) =	sbr.rel @!p2 .LBB1_6-.Ltmp1, $4  }
0x1d: {  	s12 =	simm.s32 @!p1 $0x2  }
0x1e: {  	s14 =	sadd.s32 $0x1, s10;
	_ =	swait.ge @!p1 [sflag:s12], $0x1000  }
0x1f: {  	s11 =	smov.u32 s9;
	p0 =	por !p0, !p0;
	[sflag:s12] =	ssyncset.done @!p1 $0x0  }
0x20: {  	s10 =	smov.u32 s14;
	s9 =	smov.u32 s13;
	[sflag:s12] =	ssyncadd.s32 @!p1 $0xFFFFF000  }
.LBB1_1:
0x21: {  	p1 =	sge.u32 s10, s6  }
0x22: {  	s12 =	sand.u32 @!p1 $0x1FFFFFF, s9  }
0x23: {  	s13 =	smulhi.u32 @!p1 $0x1CD8569, s12;
	_ =	sdelay $0x1  }
0x24: {  	s13 =	sshrl.u32 @!p1 s13, $0xD  }
0x25: {  	s13 =	smul.u32 @!p1 $0x11C000, s13;
	_ =	sdelay $0x1  }
0x26: {  	s31 =	sadd.s32 $0xFFFFFFFF, s10;
	s14 =	sxor.u32 @!p1 $0xFFFFFFFF, s10;
	s12 =	ssub.s32 @!p1 s12, s13  }
0x27: {  	s15 =	simm.s32 @!p1 $0x80;
	s14 =	sshll.u32 @!p1 s14, $0xC;
	s12 =	sshll.u32 @!p1 s12, $0x4  }
0x28: {  	s13 =	sand.u32 @!p1 $0x1000, s14;
	s14 =	simm.s32 @!p1 $0x20;
	s12 =	sadd.s32 @!p1 s3, s12  }
0x29: {  	[tilespmem:s13], [sflag:$0x1] =	stream.strided.gather @!p1 [hbm4b:s12+s14], $0x1000, s15, s14, $0x38;
	[tilespmem:$0x4040] =	vst v63  }
0x2a: {  	p1 =	sge.u32 s31, s6  }
.Ltmp2:
0x2b: {  	_ = 	snop;
	(pc) =	sbr.rel @p1 .LBB1_5-.Ltmp2, $1  }
0x2c: {  	_ =	sdelay $0x3  }
0x2d: {  	s12 =	simm.s32 $0x1  }
0x2e: {  	_ =	swait.ge [sflag:s5], $0x1000;
	s12 =	simm.s32 @!p0 $0x0  }
0x2f: {  	[sflag:s5] =	ssyncset.done $0x0;
	s13 =	sshll.u32 s12, $0xC  }
0x30: {  	[sflag:s5] =	ssyncadd.s32 $0xFFFFF000;
	s16 =	sor.u32 $0x10, s13  }
0x31: {  	s12 =	smul.u32 $0x4080, s12;
	v1 =	vld [tilespmem:s16+$0x0]  }
0x32: {  	s30 =	sand.u32 $0x1, s10;
	v0 =	vld [tilespmem:s16+$0xFFFFFFF0]  }
0x33: {  	s13 =	smul.u32 $0x4080, s30;
	s12 =	sshrl.u32 s12, $0x2  }
0x34: {  	s14 =	sor.u32 $0x2000, s12  }
0x35: {  	s31 =	sshrl.u32 s13, $0x2;
	s13 =	sadd.s32 $0x0, s14  }
0x36: {  	s15 =	simm.s32 $0x4;
	s16 =	sadd.s32 $0x20, s16;
	s12 =	sor.u32 $0x2000, s31;
	[tilespmem:s13+$0x810 ss:$0x81] =	vst.msk $0xffff, v1  }
.LBB1_3:
0x37: {  	v1 =	vld [tilespmem:s16+$0x0];
	p1 =	sne.s32 s15, $0x1FC;
	[tilespmem:s13+$0x0 ss:$0x81] =	vst.msk $0xffff, v0;
	s13 =	smov.u32 s15;
	s15 =	sadd.s32 $0x4, s15  }
.Ltmp3:
0x38: {  	v0 =	vld [tilespmem:s16+$0xFFFFFFF0];
	(pc) =	sbr.rel @p1 .LBB1_3-.Ltmp3, $4  }
0x39: {  	_ = 	snop  }
0x3a: {  	s13 =	sshra.s32 s13, $0x2  }
0x3b: {  	s13 =	sadd.s32 s13, s14  }
0x3c: {  	s16 =	sadd.s32 $0x20, s16;
	[tilespmem:s13+$0x810 ss:$0x81] =	vst.msk $0xffff, v1  }
.Ltmp4:
0x3d: {  	_ = 	snop;
	(pc) =	sbr.rel .LBB1_4-.Ltmp4, $1  }
0x3e: {  	_ =	sdelay $0x3  }
.LBB1_6:
0x3f: {  	_ =	sfence.sel $0x180000  }
0x40: {  	s2 =	simm.s32 $0x1;
	[bflag:$0x0] =	sbarrier.arrive $0xFFFF  }
0x41: {  	s31 =	simm.s32 $0x2;
	[sflag:s2] =	ssyncpa.u1 $0x1  }
0x42: {  	[sflag:s31] =	ssyncpa.u1 $0x1  }
0x43: {  	p0 =	sne.s32 s0, $0x0;
	_ =	strace $0x9000004A  }
0x44: {  	s0 =	sadd.s32 @!p0 $0x100000, s1;
	[bflag:$0x2] =	sbarrier.arrive $0xFFFF  }
0x45: {  	[sflag:s0] =	ssyncadd.tile.s32 @!p0 $0x1;
	_ =	shalt  }
.Lfunc_end1:
_tile_overlayer_lowered:
.L_overlay_start_2:
0x46: {  	(tag) =	ssettag $0x2  }
0x47: {  	s0 =	rddreg [dreg:$0x0];
	s2 =	stileid.u32  }
0x48: {  	s1 =	rddreg [dreg:$0x1];
	p0 =	sne.s32 s2, $0x0  }
0x49: {  	s3 =	rddreg [dreg:$0x2];
	[bflag:$0x3] =	sbarrier.arrive $0xFFFF;
	s2 =	simm.s32 @!p0 $0x1C01  }
0x4a: {  	[timem:s3], [sflag:s2] =	dma.local @!p0 [hbm:s0], s1  }
0x4b: {  	s0 =	simm.s32 @!p0 $0x1  }
0x4c: {  	_ =	swait.ge @!p0 [sflag:s0], s1  }
0x4d: {  	s1 =	ssub.s32 @!p0 $0x0, s1;
	[sflag:s0] =	ssyncset.done @!p0 $0x0  }
0x4e: {  	[sflag:s0] =	ssyncadd.s32 @!p0 s1  }
0x4f: {  	[bflag:$0x3] =	sbarrier.arrive $0xFFFF  }
0x50: {  	_ =	shalt  }

</sc_bundles>
